<compile_context>
chip_gen: v7x
topology: tpu7x:2x2x1
jax: 0.10.2.dev20260603
libtpu: 0.0.44.dev20260713+nightly
codegen_flags: <defaults>
</compile_context>

<pallas_src>
import functools

import jax
import jax.numpy as jnp
from jax import lax
from jax.experimental import pallas as pl
from jax.experimental.pallas import tpu as pltpu
from jax.experimental.pallas import tpu_sc as plsc

H = 32
W = 32
D = 128
L = 16
NCORES = 1
NSUB = 16
NWORK = NCORES * NSUB
HPW = H // NWORK
RPW = HPW * W


def _pos_embed_body(row_hbm, col_hbm, out_hbm, rowbuf, outbuf,
                    sem_r, sem_o, *sem_cs):
    wid = lax.axis_index("s") * NCORES + lax.axis_index("c")
    cp_cols = [
        pltpu.make_async_copy(
            col_hbm, outbuf.at[pl.ds(j * W, W), pl.ds(0, D)], sem_cs[j])
        for j in range(HPW)
    ]
    cp_r = pltpu.make_async_copy(
        row_hbm.at[pl.ds(wid * HPW, HPW)], rowbuf, sem_r)
    for cp in cp_cols:
        cp.start()
    cp_r.start()
    cp_r.wait()
    rvecs = [[rowbuf[j, pl.ds(k * L, L)] for k in range(D // L)]
             for j in range(HPW)]

    def bcast(w, carry):
        for j in range(HPW):
            for k in range(D // L):
                outbuf[j * W + w, pl.ds(D + k * L, L)] = rvecs[j][k]
        return carry

    lax.fori_loop(0, W, bcast, 0, unroll=False)
    for cp in cp_cols:
        cp.wait()
    pltpu.sync_copy(outbuf, out_hbm.at[pl.ds(wid * RPW, RPW)])


@jax.jit
def _pos_embed(row_embed, col_embed):
    mesh = plsc.VectorSubcoreMesh(
        core_axis_name="c", subcore_axis_name="s",
        num_cores=NCORES, num_subcores=NSUB)
    kfn = functools.partial(
        pl.kernel,
        mesh=mesh,
        out_type=jax.ShapeDtypeStruct((H * W, 2 * D), jnp.float32),
        scratch_types=[
            pltpu.VMEM((HPW, D), jnp.float32),
            pltpu.VMEM((RPW, 2 * D), jnp.float32),
            pltpu.SemaphoreType.DMA,
            pltpu.SemaphoreType.DMA,
        ] + [pltpu.SemaphoreType.DMA for _ in range(HPW)],
    )(_pos_embed_body)
    return kfn(row_embed, col_embed)


def kernel(tensor, row_embed, col_embed):
    del tensor
    return _pos_embed(row_embed, col_embed)

# --- scband reference (transcript-rebuilt; emitter-appended) ---
"""Pipeline reference for scband-position-embedding-learned-2001454760567 (READ-ONLY COPY).

The authoritative reference and input builder live on the scoring server;
editing this copy changes nothing except your own understanding.
"""

import jax, jax.numpy as jnp
import numpy as np

FEATURE_SIZE = (32, 32)  # (H, W) = feature_size[0], feature_size[1]
NUM_POS_FEATS = 128


def setup_inputs(seed: int = 0) -> dict:
    key = jax.random.key(seed)
    k_t, k_row, k_col = jax.random.split(key, 3)
    tensor = jax.random.normal(k_t, (4, 384, 32, 32), dtype=jnp.float32)
    # nn.init.uniform_ default is U[0, 1)
    row_embed = jax.random.uniform(k_row, (FEATURE_SIZE[0], NUM_POS_FEATS), dtype=jnp.float32)
    col_embed = jax.random.uniform(k_col, (FEATURE_SIZE[1], NUM_POS_FEATS), dtype=jnp.float32)
    return {"tensor": tensor, "row_embed": row_embed, "col_embed": col_embed}


def reference(tensor, row_embed, col_embed):
    H, W = FEATURE_SIZE[0], FEATURE_SIZE[1]
    i = jnp.arange(W)  # torch.arange(feature_size[1])
    j = jnp.arange(H)  # torch.arange(feature_size[0])
    x_emb = jnp.take(col_embed, i, axis=0)  # [W, D] embedding lookup
    y_emb = jnp.take(row_embed, j, axis=0)  # [H, D] embedding lookup
    # cat([x_emb.unsqueeze(0)] * H, dim=0) -> [H, W, D]
    x_tile = jnp.concatenate([x_emb[None, :, :]] * H, axis=0)
    # cat([y_emb.unsqueeze(1)] * W, dim=1) -> [H, W, D]
    y_tile = jnp.concatenate([y_emb[:, None, :]] * W, axis=1)
    pos = jnp.concatenate([x_tile, y_tile], axis=-1)  # [H, W, 2D]
    pos = pos.reshape(H * W, 2 * NUM_POS_FEATS)  # flatten(0, 1)
    return pos

if __name__ == "__main__":
    import jax
    _d = setup_inputs()
    print(jax.jit(kernel)(*tuple(_d.values())))

</pallas_src>

<mosaic_0001>
#map = affine_map<(d0, d1) -> (0, 0)>
module attributes {stable_mosaic.version = 14 : i64} {
  func.func @_pos_embed_body(%arg0: i32, %arg1: i32, %arg2: memref<32x128xf32, #tpu.memory_space<hbm>>, %arg3: memref<32x128xf32, #tpu.memory_space<hbm>>, %arg4: memref<1024x256xf32, #tpu.memory_space<hbm>>, %arg5: memref<2x128xf32, #tpu.memory_space<vmem>>, %arg6: memref<64x256xf32, #tpu.memory_space<vmem>>, %arg7: memref<!tpu.dma_semaphore, #tpu.memory_space<semaphore_mem>>, %arg8: memref<!tpu.dma_semaphore, #tpu.memory_space<semaphore_mem>>, %arg9: memref<!tpu.dma_semaphore, #tpu.memory_space<semaphore_mem>>, %arg10: memref<!tpu.dma_semaphore, #tpu.memory_space<semaphore_mem>>) attributes {dimension_semantics = [#tpu.dimension_semantics<core_parallel>, #tpu.dimension_semantics<subcore_parallel>], iteration_bounds = array<i64: 1, 16>, scalar_prefetch = 0 : i64, scratch_operands = 6 : i64, tpu.core_type = #tpu.core_type<sc_vector_subcore>, window_params = [{transform_indices = #map}, {transform_indices = #map}, {transform_indices = #map}]} {
    %mul3A = arith.constant 1 : i32
    %mul3A_0 = arith.muli %arg1, %mul3A : i32
    %add3A = arith.addi %mul3A_0, %arg0 : i32
    %mul3A_1 = arith.constant 2 : i32
    %mul3A_2 = arith.muli %add3A, %mul3A_1 : i32
    %dma_start3A = arith.constant 0 : i32
    %dma_start3A_3 = arith.constant 0 : i32
    %dma_start3A_4 = tpu.memref_slice %arg6[%dma_start3A, %dma_start3A_3] : memref<64x256xf32, #tpu.memory_space<vmem>> -> memref<32x128xf32, #tpu.memory_space<vmem>>
    %dma_start3A_5 = arith.constant 0 : i32
    %dma_start3A_6 = arith.constant 0 : i32
    %dma_start3A_7 = tpu.memref_slice %arg6[%dma_start3A_5, %dma_start3A_6] : memref<64x256xf32, #tpu.memory_space<vmem>> -> memref<32x128xf32, #tpu.memory_space<vmem>>
    tpu.enqueue_dma source(%arg3 : memref<32x128xf32, #tpu.memory_space<hbm>>) target(%dma_start3A_7 : memref<32x128xf32, #tpu.memory_space<vmem>>) target_semaphore(%arg9 : memref<!tpu.dma_semaphore, #tpu.memory_space<semaphore_mem>>)
    %dma_start3A_8 = arith.constant 32 : i32
    %dma_start3A_9 = arith.constant 0 : i32
    %dma_start3A_10 = tpu.memref_slice %arg6[%dma_start3A_8, %dma_start3A_9] : memref<64x256xf32, #tpu.memory_space<vmem>> -> memref<32x128xf32, #tpu.memory_space<vmem>>
    %dma_start3A_11 = arith.constant 32 : i32
    %dma_start3A_12 = arith.constant 0 : i32
    %dma_start3A_13 = tpu.memref_slice %arg6[%dma_start3A_11, %dma_start3A_12] : memref<64x256xf32, #tpu.memory_space<vmem>> -> memref<32x128xf32, #tpu.memory_space<vmem>>
    tpu.enqueue_dma source(%arg3 : memref<32x128xf32, #tpu.memory_space<hbm>>) target(%dma_start3A_13 : memref<32x128xf32, #tpu.memory_space<vmem>>) target_semaphore(%arg10 : memref<!tpu.dma_semaphore, #tpu.memory_space<semaphore_mem>>)
    %dma_start3A_14 = arith.constant 0 : i32
    %dma_start3A_15 = tpu.memref_slice %arg2[%mul3A_2, %dma_start3A_14] : memref<32x128xf32, #tpu.memory_space<hbm>> -> memref<2x128xf32, #tpu.memory_space<hbm>>
    %dma_start3A_16 = arith.constant 0 : i32
    %dma_start3A_17 = tpu.memref_slice %arg2[%mul3A_2, %dma_start3A_16] : memref<32x128xf32, #tpu.memory_space<hbm>> -> memref<2x128xf32, #tpu.memory_space<hbm>>
    tpu.enqueue_dma source(%dma_start3A_17 : memref<2x128xf32, #tpu.memory_space<hbm>>) target(%arg5 : memref<2x128xf32, #tpu.memory_space<vmem>>) target_semaphore(%arg7 : memref<!tpu.dma_semaphore, #tpu.memory_space<semaphore_mem>>)
    %dma_wait3A = arith.constant 0 : i32
    %dma_wait3A_18 = tpu.memref_slice %arg2[%mul3A_2, %dma_wait3A] : memref<32x128xf32, #tpu.memory_space<hbm>> -> memref<2x128xf32, #tpu.memory_space<hbm>>
    %dma_wait3A_19 = arith.constant 0 : i32
    %dma_wait3A_20 = tpu.memref_slice %arg2[%mul3A_2, %dma_wait3A_19] : memref<32x128xf32, #tpu.memory_space<hbm>> -> memref<2x128xf32, #tpu.memory_space<hbm>>
    tpu.wait_dma2 semaphore(%arg7 : memref<!tpu.dma_semaphore, #tpu.memory_space<semaphore_mem>>) src(%dma_wait3A_20 : memref<2x128xf32, #tpu.memory_space<hbm>>) dst(%arg5 : memref<2x128xf32, #tpu.memory_space<vmem>>)
    %get3A = arith.constant 0 : i32
    %get3A_21 = arith.index_cast %get3A : i32 to index
    %get3A_22 = arith.constant 0 : index
    %get3A_23 = tpu.vector_load %arg5[%get3A_21, %get3A_22] {strides = array<i32>} : memref<2x128xf32, #tpu.memory_space<vmem>>, vector<1x16xf32>,
    %get3A_24 = vector.shape_cast %get3A_23 : vector<1x16xf32> to vector<16xf32>
    %get3A_25 = arith.constant 0 : i32
    %get3A_26 = arith.index_cast %get3A_25 : i32 to index
    %get3A_27 = arith.constant 16 : index
    %get3A_28 = tpu.vector_load %arg5[%get3A_26, %get3A_27] {strides = array<i32>} : memref<2x128xf32, #tpu.memory_space<vmem>>, vector<1x16xf32>,
    %get3A_29 = vector.shape_cast %get3A_28 : vector<1x16xf32> to vector<16xf32>
    %get3A_30 = arith.constant 0 : i32
    %get3A_31 = arith.index_cast %get3A_30 : i32 to index
    %get3A_32 = arith.constant 32 : index
    %get3A_33 = tpu.vector_load %arg5[%get3A_31, %get3A_32] {strides = array<i32>} : memref<2x128xf32, #tpu.memory_space<vmem>>, vector<1x16xf32>,
    %get3A_34 = vector.shape_cast %get3A_33 : vector<1x16xf32> to vector<16xf32>
    %get3A_35 = arith.constant 0 : i32
    %get3A_36 = arith.index_cast %get3A_35 : i32 to index
    %get3A_37 = arith.constant 48 : index
    %get3A_38 = tpu.vector_load %arg5[%get3A_36, %get3A_37] {strides = array<i32>} : memref<2x128xf32, #tpu.memory_space<vmem>>, vector<1x16xf32>,
    %get3A_39 = vector.shape_cast %get3A_38 : vector<1x16xf32> to vector<16xf32>
    %get3A_40 = arith.constant 0 : i32
    %get3A_41 = arith.index_cast %get3A_40 : i32 to index
    %get3A_42 = arith.constant 64 : index
    %get3A_43 = tpu.vector_load %arg5[%get3A_41, %get3A_42] {strides = array<i32>} : memref<2x128xf32, #tpu.memory_space<vmem>>, vector<1x16xf32>,
    %get3A_44 = vector.shape_cast %get3A_43 : vector<1x16xf32> to vector<16xf32>
    %get3A_45 = arith.constant 0 : i32
    %get3A_46 = arith.index_cast %get3A_45 : i32 to index
    %get3A_47 = arith.constant 80 : index
    %get3A_48 = tpu.vector_load %arg5[%get3A_46, %get3A_47] {strides = array<i32>} : memref<2x128xf32, #tpu.memory_space<vmem>>, vector<1x16xf32>,
    %get3A_49 = vector.shape_cast %get3A_48 : vector<1x16xf32> to vector<16xf32>
    %get3A_50 = arith.constant 0 : i32
    %get3A_51 = arith.index_cast %get3A_50 : i32 to index
    %get3A_52 = arith.constant 96 : index
    %get3A_53 = tpu.vector_load %arg5[%get3A_51, %get3A_52] {strides = array<i32>} : memref<2x128xf32, #tpu.memory_space<vmem>>, vector<1x16xf32>,
    %get3A_54 = vector.shape_cast %get3A_53 : vector<1x16xf32> to vector<16xf32>
    %get3A_55 = arith.constant 0 : i32
    %get3A_56 = arith.index_cast %get3A_55 : i32 to index
    %get3A_57 = arith.constant 112 : index
    %get3A_58 = tpu.vector_load %arg5[%get3A_56, %get3A_57] {strides = array<i32>} : memref<2x128xf32, #tpu.memory_space<vmem>>, vector<1x16xf32>,
    %get3A_59 = vector.shape_cast %get3A_58 : vector<1x16xf32> to vector<16xf32>
    %get3A_60 = arith.constant 1 : i32
    %get3A_61 = arith.index_cast %get3A_60 : i32 to index
    %get3A_62 = arith.constant 0 : index
    %get3A_63 = tpu.vector_load %arg5[%get3A_61, %get3A_62] {strides = array<i32>} : memref<2x128xf32, #tpu.memory_space<vmem>>, vector<1x16xf32>,
    %get3A_64 = vector.shape_cast %get3A_63 : vector<1x16xf32> to vector<16xf32>
    %get3A_65 = arith.constant 1 : i32
    %get3A_66 = arith.index_cast %get3A_65 : i32 to index
    %get3A_67 = arith.constant 16 : index
    %get3A_68 = tpu.vector_load %arg5[%get3A_66, %get3A_67] {strides = array<i32>} : memref<2x128xf32, #tpu.memory_space<vmem>>, vector<1x16xf32>,
    %get3A_69 = vector.shape_cast %get3A_68 : vector<1x16xf32> to vector<16xf32>
    %get3A_70 = arith.constant 1 : i32
    %get3A_71 = arith.index_cast %get3A_70 : i32 to index
    %get3A_72 = arith.constant 32 : index
    %get3A_73 = tpu.vector_load %arg5[%get3A_71, %get3A_72] {strides = array<i32>} : memref<2x128xf32, #tpu.memory_space<vmem>>, vector<1x16xf32>,
    %get3A_74 = vector.shape_cast %get3A_73 : vector<1x16xf32> to vector<16xf32>
    %get3A_75 = arith.constant 1 : i32
    %get3A_76 = arith.index_cast %get3A_75 : i32 to index
    %get3A_77 = arith.constant 48 : index
    %get3A_78 = tpu.vector_load %arg5[%get3A_76, %get3A_77] {strides = array<i32>} : memref<2x128xf32, #tpu.memory_space<vmem>>, vector<1x16xf32>,
    %get3A_79 = vector.shape_cast %get3A_78 : vector<1x16xf32> to vector<16xf32>
    %get3A_80 = arith.constant 1 : i32
    %get3A_81 = arith.index_cast %get3A_80 : i32 to index
    %get3A_82 = arith.constant 64 : index
    %get3A_83 = tpu.vector_load %arg5[%get3A_81, %get3A_82] {strides = array<i32>} : memref<2x128xf32, #tpu.memory_space<vmem>>, vector<1x16xf32>,
    %get3A_84 = vector.shape_cast %get3A_83 : vector<1x16xf32> to vector<16xf32>
    %get3A_85 = arith.constant 1 : i32
    %get3A_86 = arith.index_cast %get3A_85 : i32 to index
    %get3A_87 = arith.constant 80 : index
    %get3A_88 = tpu.vector_load %arg5[%get3A_86, %get3A_87] {strides = array<i32>} : memref<2x128xf32, #tpu.memory_space<vmem>>, vector<1x16xf32>,
    %get3A_89 = vector.shape_cast %get3A_88 : vector<1x16xf32> to vector<16xf32>
    %get3A_90 = arith.constant 1 : i32
    %get3A_91 = arith.index_cast %get3A_90 : i32 to index
    %get3A_92 = arith.constant 96 : index
    %get3A_93 = tpu.vector_load %arg5[%get3A_91, %get3A_92] {strides = array<i32>} : memref<2x128xf32, #tpu.memory_space<vmem>>, vector<1x16xf32>,
    %get3A_94 = vector.shape_cast %get3A_93 : vector<1x16xf32> to vector<16xf32>
    %get3A_95 = arith.constant 1 : i32
    %get3A_96 = arith.index_cast %get3A_95 : i32 to index
    %get3A_97 = arith.constant 112 : index
    %get3A_98 = tpu.vector_load %arg5[%get3A_96, %get3A_97] {strides = array<i32>} : memref<2x128xf32, #tpu.memory_space<vmem>>, vector<1x16xf32>,
    %get3A_99 = vector.shape_cast %get3A_98 : vector<1x16xf32> to vector<16xf32>
    %scan3A = arith.constant 0 : i32
    %scan3A_100 = arith.constant 0 : i32
    %scan3A_101 = arith.constant 32 : i32
    %scan3A_102 = arith.addi %scan3A_100, %scan3A_101 : i32
    %scan3A_103 = arith.constant 1 : i32
    scf.for %scan3A_119 = %scan3A_100 to %scan3A_102 step %scan3A_103  : i32 {
      %add3A_120 = arith.constant 0 : i32
      %add3A_121 = arith.addi %add3A_120, %scan3A_119 : i32
      %swap3A = arith.index_cast %add3A_121 : i32 to index
      %swap3A_122 = arith.constant 128 : index
      %swap3A_123 = tpu.vector_load %arg6[%swap3A, %swap3A_122] {strides = array<i32>} : memref<64x256xf32, #tpu.memory_space<vmem>>, vector<1x16xf32>,
      %swap3A_124 = vector.shape_cast %swap3A_123 : vector<1x16xf32> to vector<16xf32>
      %swap3A_125 = vector.shape_cast %get3A_24 : vector<16xf32> to vector<1x16xf32>
      tpu.vector_store %arg6[%swap3A, %swap3A_122], %swap3A_125 {strides = array<i32>} : memref<64x256xf32, #tpu.memory_space<vmem>>, vector<1x16xf32>,
      %add3A_126 = arith.constant 0 : i32
      %add3A_127 = arith.addi %add3A_126, %scan3A_119 : i32
      %swap3A_128 = arith.index_cast %add3A_127 : i32 to index
      %swap3A_129 = arith.constant 144 : index
      %swap3A_130 = tpu.vector_load %arg6[%swap3A_128, %swap3A_129] {strides = array<i32>} : memref<64x256xf32, #tpu.memory_space<vmem>>, vector<1x16xf32>,
      %swap3A_131 = vector.shape_cast %swap3A_130 : vector<1x16xf32> to vector<16xf32>
      %swap3A_132 = vector.shape_cast %get3A_29 : vector<16xf32> to vector<1x16xf32>
      tpu.vector_store %arg6[%swap3A_128, %swap3A_129], %swap3A_132 {strides = array<i32>} : memref<64x256xf32, #tpu.memory_space<vmem>>, vector<1x16xf32>,
      %add3A_133 = arith.constant 0 : i32
      %add3A_134 = arith.addi %add3A_133, %scan3A_119 : i32
      %swap3A_135 = arith.index_cast %add3A_134 : i32 to index
      %swap3A_136 = arith.constant 160 : index
      %swap3A_137 = tpu.vector_load %arg6[%swap3A_135, %swap3A_136] {strides = array<i32>} : memref<64x256xf32, #tpu.memory_space<vmem>>, vector<1x16xf32>,
      %swap3A_138 = vector.shape_cast %swap3A_137 : vector<1x16xf32> to vector<16xf32>
      %swap3A_139 = vector.shape_cast %get3A_34 : vector<16xf32> to vector<1x16xf32>
      tpu.vector_store %arg6[%swap3A_135, %swap3A_136], %swap3A_139 {strides = array<i32>} : memref<64x256xf32, #tpu.memory_space<vmem>>, vector<1x16xf32>,
      %add3A_140 = arith.constant 0 : i32
      %add3A_141 = arith.addi %add3A_140, %scan3A_119 : i32
      %swap3A_142 = arith.index_cast %add3A_141 : i32 to index
      %swap3A_143 = arith.constant 176 : index
      %swap3A_144 = tpu.vector_load %arg6[%swap3A_142, %swap3A_143] {strides = array<i32>} : memref<64x256xf32, #tpu.memory_space<vmem>>, vector<1x16xf32>,
      %swap3A_145 = vector.shape_cast %swap3A_144 : vector<1x16xf32> to vector<16xf32>
      %swap3A_146 = vector.shape_cast %get3A_39 : vector<16xf32> to vector<1x16xf32>
      tpu.vector_store %arg6[%swap3A_142, %swap3A_143], %swap3A_146 {strides = array<i32>} : memref<64x256xf32, #tpu.memory_space<vmem>>, vector<1x16xf32>,
      %add3A_147 = arith.constant 0 : i32
      %add3A_148 = arith.addi %add3A_147, %scan3A_119 : i32
      %swap3A_149 = arith.index_cast %add3A_148 : i32 to index
      %swap3A_150 = arith.constant 192 : index
      %swap3A_151 = tpu.vector_load %arg6[%swap3A_149, %swap3A_150] {strides = array<i32>} : memref<64x256xf32, #tpu.memory_space<vmem>>, vector<1x16xf32>,
      %swap3A_152 = vector.shape_cast %swap3A_151 : vector<1x16xf32> to vector<16xf32>
      %swap3A_153 = vector.shape_cast %get3A_44 : vector<16xf32> to vector<1x16xf32>
      tpu.vector_store %arg6[%swap3A_149, %swap3A_150], %swap3A_153 {strides = array<i32>} : memref<64x256xf32, #tpu.memory_space<vmem>>, vector<1x16xf32>,
      %add3A_154 = arith.constant 0 : i32
      %add3A_155 = arith.addi %add3A_154, %scan3A_119 : i32
      %swap3A_156 = arith.index_cast %add3A_155 : i32 to index
      %swap3A_157 = arith.constant 208 : index
      %swap3A_158 = tpu.vector_load %arg6[%swap3A_156, %swap3A_157] {strides = array<i32>} : memref<64x256xf32, #tpu.memory_space<vmem>>, vector<1x16xf32>,
      %swap3A_159 = vector.shape_cast %swap3A_158 : vector<1x16xf32> to vector<16xf32>
      %swap3A_160 = vector.shape_cast %get3A_49 : vector<16xf32> to vector<1x16xf32>
      tpu.vector_store %arg6[%swap3A_156, %swap3A_157], %swap3A_160 {strides = array<i32>} : memref<64x256xf32, #tpu.memory_space<vmem>>, vector<1x16xf32>,
      %add3A_161 = arith.constant 0 : i32
      %add3A_162 = arith.addi %add3A_161, %scan3A_119 : i32
      %swap3A_163 = arith.index_cast %add3A_162 : i32 to index
      %swap3A_164 = arith.constant 224 : index
      %swap3A_165 = tpu.vector_load %arg6[%swap3A_163, %swap3A_164] {strides = array<i32>} : memref<64x256xf32, #tpu.memory_space<vmem>>, vector<1x16xf32>,
      %swap3A_166 = vector.shape_cast %swap3A_165 : vector<1x16xf32> to vector<16xf32>
      %swap3A_167 = vector.shape_cast %get3A_54 : vector<16xf32> to vector<1x16xf32>
      tpu.vector_store %arg6[%swap3A_163, %swap3A_164], %swap3A_167 {strides = array<i32>} : memref<64x256xf32, #tpu.memory_space<vmem>>, vector<1x16xf32>,
      %add3A_168 = arith.constant 0 : i32
      %add3A_169 = arith.addi %add3A_168, %scan3A_119 : i32
      %swap3A_170 = arith.index_cast %add3A_169 : i32 to index
      %swap3A_171 = arith.constant 240 : index
      %swap3A_172 = tpu.vector_load %arg6[%swap3A_170, %swap3A_171] {strides = array<i32>} : memref<64x256xf32, #tpu.memory_space<vmem>>, vector<1x16xf32>,
      %swap3A_173 = vector.shape_cast %swap3A_172 : vector<1x16xf32> to vector<16xf32>
      %swap3A_174 = vector.shape_cast %get3A_59 : vector<16xf32> to vector<1x16xf32>
      tpu.vector_store %arg6[%swap3A_170, %swap3A_171], %swap3A_174 {strides = array<i32>} : memref<64x256xf32, #tpu.memory_space<vmem>>, vector<1x16xf32>,
      %add3A_175 = arith.constant 32 : i32
      %add3A_176 = arith.addi %add3A_175, %scan3A_119 : i32
      %swap3A_177 = arith.index_cast %add3A_176 : i32 to index
      %swap3A_178 = arith.constant 128 : index
      %swap3A_179 = tpu.vector_load %arg6[%swap3A_177, %swap3A_178] {strides = array<i32>} : memref<64x256xf32, #tpu.memory_space<vmem>>, vector<1x16xf32>,
      %swap3A_180 = vector.shape_cast %swap3A_179 : vector<1x16xf32> to vector<16xf32>
      %swap3A_181 = vector.shape_cast %get3A_64 : vector<16xf32> to vector<1x16xf32>
      tpu.vector_store %arg6[%swap3A_177, %swap3A_178], %swap3A_181 {strides = array<i32>} : memref<64x256xf32, #tpu.memory_space<vmem>>, vector<1x16xf32>,
      %add3A_182 = arith.constant 32 : i32
      %add3A_183 = arith.addi %add3A_182, %scan3A_119 : i32
      %swap3A_184 = arith.index_cast %add3A_183 : i32 to index
      %swap3A_185 = arith.constant 144 : index
      %swap3A_186 = tpu.vector_load %arg6[%swap3A_184, %swap3A_185] {strides = array<i32>} : memref<64x256xf32, #tpu.memory_space<vmem>>, vector<1x16xf32>,
      %swap3A_187 = vector.shape_cast %swap3A_186 : vector<1x16xf32> to vector<16xf32>
      %swap3A_188 = vector.shape_cast %get3A_69 : vector<16xf32> to vector<1x16xf32>
      tpu.vector_store %arg6[%swap3A_184, %swap3A_185], %swap3A_188 {strides = array<i32>} : memref<64x256xf32, #tpu.memory_space<vmem>>, vector<1x16xf32>,
      %add3A_189 = arith.constant 32 : i32
      %add3A_190 = arith.addi %add3A_189, %scan3A_119 : i32
      %swap3A_191 = arith.index_cast %add3A_190 : i32 to index
      %swap3A_192 = arith.constant 160 : index
      %swap3A_193 = tpu.vector_load %arg6[%swap3A_191, %swap3A_192] {strides = array<i32>} : memref<64x256xf32, #tpu.memory_space<vmem>>, vector<1x16xf32>,
      %swap3A_194 = vector.shape_cast %swap3A_193 : vector<1x16xf32> to vector<16xf32>
      %swap3A_195 = vector.shape_cast %get3A_74 : vector<16xf32> to vector<1x16xf32>
      tpu.vector_store %arg6[%swap3A_191, %swap3A_192], %swap3A_195 {strides = array<i32>} : memref<64x256xf32, #tpu.memory_space<vmem>>, vector<1x16xf32>,
      %add3A_196 = arith.constant 32 : i32
      %add3A_197 = arith.addi %add3A_196, %scan3A_119 : i32
      %swap3A_198 = arith.index_cast %add3A_197 : i32 to index
      %swap3A_199 = arith.constant 176 : index
      %swap3A_200 = tpu.vector_load %arg6[%swap3A_198, %swap3A_199] {strides = array<i32>} : memref<64x256xf32, #tpu.memory_space<vmem>>, vector<1x16xf32>,
      %swap3A_201 = vector.shape_cast %swap3A_200 : vector<1x16xf32> to vector<16xf32>
      %swap3A_202 = vector.shape_cast %get3A_79 : vector<16xf32> to vector<1x16xf32>
      tpu.vector_store %arg6[%swap3A_198, %swap3A_199], %swap3A_202 {strides = array<i32>} : memref<64x256xf32, #tpu.memory_space<vmem>>, vector<1x16xf32>,
      %add3A_203 = arith.constant 32 : i32
      %add3A_204 = arith.addi %add3A_203, %scan3A_119 : i32
      %swap3A_205 = arith.index_cast %add3A_204 : i32 to index
      %swap3A_206 = arith.constant 192 : index
      %swap3A_207 = tpu.vector_load %arg6[%swap3A_205, %swap3A_206] {strides = array<i32>} : memref<64x256xf32, #tpu.memory_space<vmem>>, vector<1x16xf32>,
      %swap3A_208 = vector.shape_cast %swap3A_207 : vector<1x16xf32> to vector<16xf32>
      %swap3A_209 = vector.shape_cast %get3A_84 : vector<16xf32> to vector<1x16xf32>
      tpu.vector_store %arg6[%swap3A_205, %swap3A_206], %swap3A_209 {strides = array<i32>} : memref<64x256xf32, #tpu.memory_space<vmem>>, vector<1x16xf32>,
      %add3A_210 = arith.constant 32 : i32
      %add3A_211 = arith.addi %add3A_210, %scan3A_119 : i32
      %swap3A_212 = arith.index_cast %add3A_211 : i32 to index
      %swap3A_213 = arith.constant 208 : index
      %swap3A_214 = tpu.vector_load %arg6[%swap3A_212, %swap3A_213] {strides = array<i32>} : memref<64x256xf32, #tpu.memory_space<vmem>>, vector<1x16xf32>,
      %swap3A_215 = vector.shape_cast %swap3A_214 : vector<1x16xf32> to vector<16xf32>
      %swap3A_216 = vector.shape_cast %get3A_89 : vector<16xf32> to vector<1x16xf32>
      tpu.vector_store %arg6[%swap3A_212, %swap3A_213], %swap3A_216 {strides = array<i32>} : memref<64x256xf32, #tpu.memory_space<vmem>>, vector<1x16xf32>,
      %add3A_217 = arith.constant 32 : i32
      %add3A_218 = arith.addi %add3A_217, %scan3A_119 : i32
      %swap3A_219 = arith.index_cast %add3A_218 : i32 to index
      %swap3A_220 = arith.constant 224 : index
      %swap3A_221 = tpu.vector_load %arg6[%swap3A_219, %swap3A_220] {strides = array<i32>} : memref<64x256xf32, #tpu.memory_space<vmem>>, vector<1x16xf32>,
      %swap3A_222 = vector.shape_cast %swap3A_221 : vector<1x16xf32> to vector<16xf32>
      %swap3A_223 = vector.shape_cast %get3A_94 : vector<16xf32> to vector<1x16xf32>
      tpu.vector_store %arg6[%swap3A_219, %swap3A_220], %swap3A_223 {strides = array<i32>} : memref<64x256xf32, #tpu.memory_space<vmem>>, vector<1x16xf32>,
      %add3A_224 = arith.constant 32 : i32
      %add3A_225 = arith.addi %add3A_224, %scan3A_119 : i32
      %swap3A_226 = arith.index_cast %add3A_225 : i32 to index
      %swap3A_227 = arith.constant 240 : index
      %swap3A_228 = tpu.vector_load %arg6[%swap3A_226, %swap3A_227] {strides = array<i32>} : memref<64x256xf32, #tpu.memory_space<vmem>>, vector<1x16xf32>,
      %swap3A_229 = vector.shape_cast %swap3A_228 : vector<1x16xf32> to vector<16xf32>
      %swap3A_230 = vector.shape_cast %get3A_99 : vector<16xf32> to vector<1x16xf32>
      tpu.vector_store %arg6[%swap3A_226, %swap3A_227], %swap3A_230 {strides = array<i32>} : memref<64x256xf32, #tpu.memory_space<vmem>>, vector<1x16xf32>,
    }
    %scan3A_104 = arith.constant 32 : i32
    %dma_wait3A_105 = arith.constant 0 : i32
    %dma_wait3A_106 = arith.constant 0 : i32
    %dma_wait3A_107 = tpu.memref_slice %arg6[%dma_wait3A_105, %dma_wait3A_106] : memref<64x256xf32, #tpu.memory_space<vmem>> -> memref<32x128xf32, #tpu.memory_space<vmem>>
    %dma_wait3A_108 = arith.constant 0 : i32
    %dma_wait3A_109 = arith.constant 0 : i32
    %dma_wait3A_110 = tpu.memref_slice %arg6[%dma_wait3A_108, %dma_wait3A_109] : memref<64x256xf32, #tpu.memory_space<vmem>> -> memref<32x128xf32, #tpu.memory_space<vmem>>
    tpu.wait_dma2 semaphore(%arg9 : memref<!tpu.dma_semaphore, #tpu.memory_space<semaphore_mem>>) src(%arg3 : memref<32x128xf32, #tpu.memory_space<hbm>>) dst(%dma_wait3A_110 : memref<32x128xf32, #tpu.memory_space<vmem>>)
    %dma_wait3A_111 = arith.constant 32 : i32
    %dma_wait3A_112 = arith.constant 0 : i32
    %dma_wait3A_113 = tpu.memref_slice %arg6[%dma_wait3A_111, %dma_wait3A_112] : memref<64x256xf32, #tpu.memory_space<vmem>> -> memref<32x128xf32, #tpu.memory_space<vmem>>
    %dma_wait3A_114 = arith.constant 32 : i32
    %dma_wait3A_115 = arith.constant 0 : i32
    %dma_wait3A_116 = tpu.memref_slice %arg6[%dma_wait3A_114, %dma_wait3A_115] : memref<64x256xf32, #tpu.memory_space<vmem>> -> memref<32x128xf32, #tpu.memory_space<vmem>>
    tpu.wait_dma2 semaphore(%arg10 : memref<!tpu.dma_semaphore, #tpu.memory_space<semaphore_mem>>) src(%arg3 : memref<32x128xf32, #tpu.memory_space<hbm>>) dst(%dma_wait3A_116 : memref<32x128xf32, #tpu.memory_space<vmem>>)
    %mul3A_117 = arith.constant 64 : i32
    %mul3A_118 = arith.muli %add3A, %mul3A_117 : i32
    "tpu.region"() ({
      %run_scoped3A = tpu.sem_alloc : memref<!tpu.dma_semaphore, #tpu.memory_space<semaphore_mem>>
      %dma_start3A_119 = arith.constant 0 : i32
      %dma_start3A_120 = tpu.memref_slice %arg4[%mul3A_118, %dma_start3A_119] : memref<1024x256xf32, #tpu.memory_space<hbm>> -> memref<64x256xf32, #tpu.memory_space<hbm>>
      %dma_start3A_121 = arith.constant 0 : i32
      %dma_start3A_122 = tpu.memref_slice %arg4[%mul3A_118, %dma_start3A_121] : memref<1024x256xf32, #tpu.memory_space<hbm>> -> memref<64x256xf32, #tpu.memory_space<hbm>>
      tpu.enqueue_dma source(%arg6 : memref<64x256xf32, #tpu.memory_space<vmem>>) target(%dma_start3A_122 : memref<64x256xf32, #tpu.memory_space<hbm>>) target_semaphore(%run_scoped3A : memref<!tpu.dma_semaphore, #tpu.memory_space<semaphore_mem>>)
      %dma_wait3A_123 = arith.constant 0 : i32
      %dma_wait3A_124 = tpu.memref_slice %arg4[%mul3A_118, %dma_wait3A_123] : memref<1024x256xf32, #tpu.memory_space<hbm>> -> memref<64x256xf32, #tpu.memory_space<hbm>>
      %dma_wait3A_125 = arith.constant 0 : i32
      %dma_wait3A_126 = tpu.memref_slice %arg4[%mul3A_118, %dma_wait3A_125] : memref<1024x256xf32, #tpu.memory_space<hbm>> -> memref<64x256xf32, #tpu.memory_space<hbm>>
      tpu.wait_dma2 semaphore(%run_scoped3A : memref<!tpu.dma_semaphore, #tpu.memory_space<semaphore_mem>>) src(%arg6 : memref<64x256xf32, #tpu.memory_space<vmem>>) dst(%dma_wait3A_126 : memref<64x256xf32, #tpu.memory_space<hbm>>)
      tpu.yield
    }) : () -> ()
    return
  }
}

</mosaic_0001>

<sc_bundles>
// kernel: _pos_embed.3.cloned.1.call-start
scs
__scs_entry_jumppad:
0x0: {  	(pc) =	sbr.rel $0x88, $3  }
0x1: {  	(tag) =	ssettag $0x0;
	lr =	simm.s32 $0x1  }
0x2: {  	[smem:$0x3F9F] =	sst lr;
	_ =	strace $0xD0000000  }
0x3: {  	_ = 	snop  }
0x4: {  	_ = 	snop  }
0x5: {  	_ = 	snop  }
0x6: {  	_ = 	snop  }
0x7: {  	_ = 	snop  }
__scs_overlays_trampoline_lowered:
0x8: {  	[smem:$0x3FAE] =	sst s0  }
0x9: {  	[smem:$0x3FAF] =	sst s1  }
0xa: {  	[smem:$0x3FB0] =	sst s2  }
0xb: {  	[smem:$0x3FB1] =	sst s3  }
0xc: {  	[smem:$0x3FB2] =	sst s4  }
0xd: {  	[smem:$0x3FB3] =	sst s5  }
0xe: {  	[smem:$0x3FB4] =	sst s6  }
0xf: {  	[smem:$0x3FB5] =	sst s7  }
0x10: {  	[smem:$0x3FB6] =	sst s8  }
0x11: {  	[smem:$0x3FB7] =	sst s9;
	s0 =	simm.s32 @!p0 $0x0  }
0x12: {  	s1 =	sld [smem:$0x3F9D];
	s0 =	simm.s32 @p0 $0x1  }
0x13: {  	[smem:$0x3FB8] =	sst s0;
	s0 =	simm.s32 @!p1 $0x0  }
0x14: {  	s2 =	sld [smem:$0x3F9C];
	s0 =	simm.s32 @p1 $0x1  }
0x15: {  	[smem:$0x3FB9] =	sst s0;
	s0 =	simm.s32 @!p2 $0x0  }
0x16: {  	s3 =	sld [smem:$0x3FDB];
	s0 =	simm.s32 @p2 $0x1  }
0x17: {  	s4 =	simm.s32 $0x1BF5;
	[smem:$0x3FBB] =	sst s0  }
0x18: {  	s0 =	sld [smem:$0x3F9E];
	_ =	swait.ge [sflag:s4], $0x0  }
0x19: {  	s7 =	sld [smem:$0x3F9F]  }
0x1a: {  	s8 =	sadd.s32 $0xFFFFE003, lr  }
0x1b: {  	s9 =	sadd.s32 $0xFFFFFEF7, lr;
	s5 =	simm.s32 $0xFFFFFFFF;
	p2 =	slt.u32 s8, $0xFFFFF086  }
0x1c: {  	p1 =	slt.u32 s9, $0xF7A;
	s5 =	simm.s32 @!p2 $0x0  }
0x1d: {  	s5 =	simm.s32 @p1 $0x1;
	p0 =	seq.s32 s7, s2  }
0x1e: {  	s7 =	smul.u32 @!p0 $0xF7A, s2;
	p2 =	seq.s32 @!p0 s5, $0x0  }
0x1f: {  	s9 =	smul.u32 $0xF7A, s1;
	s8 =	simm.s32 @!p0 $0x1BF5;
	p2 =	por !p2, p0  }
0x20: {  	[sflag:s8] =	ssyncset.s32 @!p0 $0xFFFFF086;
	s6 =	sadd.s32 @!p0 s3, s7;
	s7 =	simm.s32 @!p0 $0x108  }
0x21: {  	s3 =	sadd.s32 s3, s9;
	s6 =	sadd.s32 @!p0 $0x88, s6;
	s7 =	simm.s32 @p2 $0x1082  }
0x22: {  	[simem:s7], [sflag:s8] =	dma.local @!p0 [hbm:s6], $0xF7A  }
0x23: {  	s9 =	sor.u32 $0xD0000000, s2;
	s6 =	simm.s32 $0x108;
	_ =	swait.ge @!p0 [sflag:s8], $0x0  }
0x24: {  	s3 =	sadd.s32 $0x88, s3;
	s6 =	simm.s32 @!p1 $0x1082;
	[sflag:s4] =	ssyncset.s32 $0xFFFFF086  }
0x25: {  	[simem:s6], [sflag:s4] =	dma.local [hbm:s3], $0xF7A  }
0x26: {  	[smem:$0x3F9F] =	sst s1;
	(tag) =	ssettag s2;
	_ =	strace s9  }
0x27: {  	s1 =	sld [smem:$0x3FAF]  }
0x28: {  	s2 =	sld [smem:$0x3FB0]  }
0x29: {  	s4 =	sld [smem:$0x3FB2]  }
0x2a: {  	p0 =	seq.s32 s5, $0x0;
	s5 =	sld [smem:$0x3FB3]  }
0x2b: {  	s6 =	sld [smem:$0x3FB4]  }
0x2c: {  	s7 =	sld [smem:$0x3FB5]  }
0x2d: {  	s3 =	simm.s32 $0x108;
	s8 =	sld [smem:$0x3FB6]  }
0x2e: {  	s3 =	simm.s32 @!p0 $0x1082;
	s9 =	sld [smem:$0x3FB7]  }
0x2f: {  	lr =	sadd.s32 s0, s3;
	s0 =	sld [smem:$0x3FAE]  }
0x30: {  	s3 =	sld [smem:$0x3FB1]  }
0x31: {  	[smem:$0x3FBA] =	sst s10  }
0x32: {  	s10 =	sld [smem:$0x3FB8];
	_ =	sdelay $0x3  }
0x33: {  	p0 =	seq.s32 s10, $0x1;
	s10 =	sld [smem:$0x3FBA];
	_ =	sdelay $0x3  }
0x34: {  	[smem:$0x3FBA] =	sst s10  }
0x35: {  	s10 =	sld [smem:$0x3FB9];
	_ =	sdelay $0x3  }
0x36: {  	p1 =	seq.s32 s10, $0x1;
	s10 =	sld [smem:$0x3FBA];
	_ =	sdelay $0x3  }
0x37: {  	[smem:$0x3FBA] =	sst s10  }
0x38: {  	s10 =	sld [smem:$0x3FBB]  }
0x39: {  	_ = 	snop;
	(pc) =	sbr.ind lr, $3  }
0x3a: {  	_ = 	snop  }
0x3b: {  	_ = 	snop  }
0x3c: {  	p2 =	seq.s32 s10, $0x1;
	s10 =	sld [smem:$0x3FBA]  }
0x3d: {  	_ =	shalt  }
0x3e: {  	_ =	shalt  }
0x3f: {  	_ =	shalt  }
0x40: {  	_ =	shalt  }
0x41: {  	_ =	shalt  }
0x42: {  	_ =	shalt  }
0x43: {  	_ =	shalt  }
0x44: {  	_ =	shalt  }
0x45: {  	_ =	shalt  }
0x46: {  	_ =	shalt  }
0x47: {  	_ =	shalt  }
0x48: {  	_ =	shalt  }
0x49: {  	_ =	shalt  }
0x4a: {  	_ =	shalt  }
0x4b: {  	_ =	shalt  }
0x4c: {  	_ =	shalt  }
0x4d: {  	_ =	shalt  }
0x4e: {  	_ =	shalt  }
0x4f: {  	_ =	shalt  }
0x50: {  	_ =	shalt  }
0x51: {  	_ =	shalt  }
0x52: {  	_ =	shalt  }
0x53: {  	_ =	shalt  }
0x54: {  	_ =	shalt  }
0x55: {  	_ =	shalt  }
0x56: {  	_ =	shalt  }
0x57: {  	_ =	shalt  }
0x58: {  	_ =	shalt  }
0x59: {  	_ =	shalt  }
0x5a: {  	_ =	shalt  }
0x5b: {  	_ =	shalt  }
0x5c: {  	_ =	shalt  }
0x5d: {  	_ =	shalt  }
0x5e: {  	_ =	shalt  }
0x5f: {  	_ =	shalt  }
0x60: {  	_ =	shalt  }
0x61: {  	_ =	shalt  }
0x62: {  	_ =	shalt  }
0x63: {  	_ =	shalt  }
0x64: {  	_ =	shalt  }
0x65: {  	_ =	shalt  }
0x66: {  	_ =	shalt  }
0x67: {  	_ =	shalt  }
0x68: {  	_ =	shalt  }
0x69: {  	_ =	shalt  }
0x6a: {  	_ =	shalt  }
0x6b: {  	_ =	shalt  }
0x6c: {  	_ =	shalt  }
0x6d: {  	_ =	shalt  }
0x6e: {  	_ =	shalt  }
0x6f: {  	_ =	shalt  }
0x70: {  	_ =	shalt  }
0x71: {  	_ =	shalt  }
0x72: {  	_ =	shalt  }
0x73: {  	_ =	shalt  }
0x74: {  	_ =	shalt  }
0x75: {  	_ =	shalt  }
0x76: {  	_ =	shalt  }
0x77: {  	_ =	shalt  }
0x78: {  	_ =	shalt  }
0x79: {  	_ =	shalt  }
0x7a: {  	_ =	shalt  }
0x7b: {  	_ =	shalt  }
0x7c: {  	_ =	shalt  }
0x7d: {  	_ =	shalt  }
0x7e: {  	_ =	shalt  }
0x7f: {  	_ =	shalt  }
0x80: {  	_ =	shalt  }
0x81: {  	_ =	shalt  }
0x82: {  	_ =	shalt  }
0x83: {  	_ =	shalt  }
0x84: {  	_ =	shalt  }
0x85: {  	_ =	shalt  }
0x86: {  	_ =	shalt  }
0x87: {  	_ =	shalt  }
.Lfunc_end0:
.L_simem_size_0:
called_computation_lowered:
.L_overlay_start_0:
0x88: {  	s0 =	sld [smem:$0x3FD9]  }
0x89: {  	s1 =	sld [smem:$0x3FFE];
	_ =	sdelay $0x3  }
0x8a: {  	s0 =	sadd.s32 s1, s0  }
0x8b: {  	[smem:$0x3FC6] =	sst s0  }
0x8c: {  	_ = 	snop  }
0x8d: {  	s0 =	sld [smem:$0x3FC9]  }
0x8e: {  	s17 =	sld [smem:$0x3FC8]  }
0x8f: {  	s2 =	sld [smem:$0x3FD0];
	(tm) =	ssettm $0x1  }
0x90: {  	s3 =	sld [smem:$0x3FFB];
	_ =	sdelay $0x3  }
0x91: {  	_ =	strace s3  }
0x92: {  	s3 =	sld [smem:$0x3FFC];
	_ =	sdelay $0x3  }
0x93: {  	_ =	strace s3  }
0x94: {  	s3 =	sld [smem:$0x3FFD];
	_ =	sdelay $0x3  }
0x95: {  	_ =	strace s3  }
0x96: {  	_ =	strace $0x8FFFFFFF  }
0x97: {  	s18 =	sld [smem:$0x3FDB];
	_ =	sdelay $0x1  }
0x98: {  	s4 =	simm.s32 $_scs_section_size  }
0x99: {  	s5 =	simm.s32 $_size__tile_overlayer_lowered;
	s6 =	simm.s32 $_tile_overlayer_lowered  }
0x9a: {  	s21 =	simm.s32 $0x1BFF;
	s20 =	sshll.u32 s6, $0x1;
	s3 =	sadd.s32 s4, s18  }
0x9b: {  	s7 =	simm.s32 $0x0;
	s19 =	sshll.u32 s5, $0x1;
	s5 =	sadd.s32 s20, s3  }
0x9c: {  	[timem:s7], [sflag:s21] =	dma.local [hbm:s5], s19  }
0x9d: {  	_ =	swait.ge [sflag:s21], s19  }
0x9e: {  	s4 =	ssub.s32 $0x0, s19;
	[sflag:s21] =	ssyncset.done $0x0  }
0x9f: {  	[sflag:s21] =	ssyncadd.s32 s4;
	_ =	sdelay $0x1  }
0xa0: {  	s22 =	simm.s32 $0x1B8B  }
0xa1: {  	_ =	swait.ge [sflag:s22], $0x1  }
0xa2: {  	[sflag:s22] =	ssyncset.done $0x0  }
0xa3: {  	s23 =	simm.s32 $0x1B8E;
	[sflag:s22] =	ssyncadd.s32 $0xFFFFFFFF  }
0xa4: {  	s24 =	simm.s32 $execute0_lowered;
	[smem:$0x3FD2] =	sst s23  }
0xa5: {  	s4 =	sshll.u32 s24, $0x1;
	_ =	strace $0x80000046;
	[dreg:$0x1] =	wrdreg $0xFFFFFFFF  }
0xa6: {  	s25 =	simm.s32 $_size_execute0_lowered;
	s3 =	sadd.s32 s3, s4;
	[dreg:$0x0] =	wrdreg $0x0  }
0xa7: {  	s4 =	sshll.u32 s25, $0x1;
	[dreg:$0x2] =	wrdreg s3  }
0xa8: {  	[dreg:$0x3] =	wrdreg s4  }
0xa9: {  	[dreg:$0x4] =	wrdreg $0xC0  }
0xaa: {  	_ =	task [dreg:s7], $0x5FFFF  }
0xab: {  	[dreg:$0x1] =	wrdreg $0xFFFFFFFF  }
0xac: {  	[dreg:$0x0] =	wrdreg $0x60  }
0xad: {  	[dreg:$0x2] =	wrdreg s0  }
0xae: {  	[dreg:$0x3] =	wrdreg s17  }
0xaf: {  	[dreg:$0x4] =	wrdreg s2  }
0xb0: {  	[dreg:$0x5] =	wrdreg $0x9  }
0xb1: {  	_ =	task.clear_ibuf [dreg:s7], $0x6FFFF;
	_ =	strace $0x90000046  }
0xb2: {  	s26 =	simm.s32 $0x9;
	_ =	strace $0x80000048  }
0xb3: {  	_ =	swait.ge [sflag:s26], $0x1  }
0xb4: {  	[sflag:s26] =	ssyncadd.s32 $0xFFFFFFFF  }
0xb5: {  	_ =	strace $0x90000048  }
0xb6: {  	_ =	sfence  }
0xb7: {  	s28 =	sld [smem:$0x0];
	_ =	sdelay $0x1  }
0xb8: {  	s29 =	srdreg.scid  }
0xb9: {  	s30 =	sshll.u32 s29, $0xD;
	s31 =	sshrl.u32 s29, $0x2  }
0xba: {  	s1 =	sand.u32 $0x1, s29;
	s2 =	sand.u32 $0x4000, s30;
	s0 =	sadd.s32 s31, s28  }
0xbb: {  	s1 =	sor.u32 s2, s1;
	s0 =	sshll.u32 s0, $0x11  }
0xbc: {  	s0 =	sor.u32 s0, s1  }
0xbd: {  	s0 =	sadd.s32 $0x8F2B, s0  }
0xbe: {  	[sflag:s0] =	ssyncadd.remote.s32 $0x1  }
0xbf: {  	_ =	sfence.sel $0xFFFF  }
0xc0: {  	[dreg:$0x0] =	wrdreg $0xFFFFFFFF;
	(pc) =	sbr.abs _section_cstart, $3  }
0xc1: {  	[dreg:$0x1] =	wrdreg $0xFFFFFFFF  }
0xc2: {  	_ =	task.clear_ibuf [dreg:s7], $0x2FFFF;
	_ =	strace $0x9FFFFFFF  }
0xc3: {  	(tm) =	ssettm $0x7FFFFFFF  }
tec
execute0_lowered:
.L_overlay_start_1:
0x0: {  	(tag) =	ssettag $0x1  }
0x1: {  	s3 =	rddreg [dreg:$0x0]  }
0x2: {  	s2 =	rddreg [dreg:$0x1]  }
0x3: {  	s1 =	rddreg [dreg:$0x2];
	s4 =	simm.s32 $0x0  }
0x4: {  	[smem:$0x7FF] =	sst s4  }
0x5: {  	s0 =	rddreg [dreg:$0x3];
	s5 =	simm.s32 $0x100;
	_ =	strace $0x80000047  }
0x6: {  	[tilespmem:s5], [sflag:$0x2] =	stream.linear.gather [hbm4b:s2+s4], $0x400, $0x38;
	[tilespmem:$0x4100] =	vst v63  }
0x7: {  	s6 =	simm.s32 $0x900;
	s20 =	sadd.s32 $0x80, s2  }
0x8: {  	[tilespmem:s6], [sflag:$0x2] =	stream.linear.gather [hbm4b:s20+s4], $0x400, $0x38;
	[tilespmem:$0x4100] =	vst v63  }
0x9: {  	s7 =	simm.s32 $0x1100;
	s21 =	sadd.s32 $0x100, s2  }
0xa: {  	[tilespmem:s7], [sflag:$0x2] =	stream.linear.gather [hbm4b:s21+s4], $0x400, $0x38;
	[tilespmem:$0x4100] =	vst v63  }
0xb: {  	s8 =	simm.s32 $0x1900;
	s22 =	sadd.s32 $0x180, s2  }
0xc: {  	[tilespmem:s8], [sflag:$0x2] =	stream.linear.gather [hbm4b:s22+s4], $0x400, $0x38;
	[tilespmem:$0x4100] =	vst v63  }
0xd: {  	s23 =	simm.s32 $0x2100  }
0xe: {  	[tilespmem:s23], [sflag:$0x3] =	stream.linear.gather [hbm4b:s2+s4], $0x400, $0x38;
	[tilespmem:$0x4100] =	vst v63  }
0xf: {  	s24 =	simm.s32 $0x2900  }
0x10: {  	[tilespmem:s24], [sflag:$0x3] =	stream.linear.gather [hbm4b:s20+s4], $0x400, $0x38;
	[tilespmem:$0x4100] =	vst v63  }
0x11: {  	s25 =	simm.s32 $0x3100;
	s2 =	stileid.u32  }
0x12: {  	[tilespmem:s25], [sflag:$0x3] =	stream.linear.gather [hbm4b:s21+s4], $0x400, $0x38;
	[tilespmem:$0x4100] =	vst v63  }
0x13: {  	s26 =	simm.s32 $0x3900;
	s28 =	sshll.u32 s2, $0x5  }
0x14: {  	[tilespmem:s26], [sflag:$0x3] =	stream.linear.gather [hbm4b:s22+s4], $0x400, $0x38;
	[tilespmem:$0x4100] =	vst v63  }
0x15: {  	s29 =	simm.s32 $0x1;
	s3 =	sadd.s32 s3, s28  }
0x16: {  	[tilespmem:s4], [sflag:$0x1] =	stream.linear.gather [hbm4b:s3+s4], $0x100, $0x38;
	[tilespmem:$0x4100] =	vst v63  }
0x17: {  	_ =	swait.ge [sflag:s29], $0x100  }
0x18: {  	[sflag:s29] =	ssyncset.done $0x0  }
0x19: {  	[sflag:s29] =	ssyncadd.s32 $0xFFFFFF00  }
0x1a: {  	v0 =	vld [tilespmem:$0x0]  }
0x1b: {  	v1 =	vld [tilespmem:$0x10]  }
0x1c: {  	v2 =	vld [tilespmem:$0x20]  }
0x1d: {  	v3 =	vld [tilespmem:$0x30]  }
0x1e: {  	v4 =	vld [tilespmem:$0x40]  }
0x1f: {  	v5 =	vld [tilespmem:$0x50]  }
0x20: {  	v6 =	vld [tilespmem:$0x60]  }
0x21: {  	v7 =	vld [tilespmem:$0x70]  }
0x22: {  	v8 =	vld [tilespmem:$0x80]  }
0x23: {  	v9 =	vld [tilespmem:$0x90]  }
0x24: {  	v15 =	vld [tilespmem:$0xF0]  }
0x25: {  	v10 =	vld [tilespmem:$0xA0]  }
0x26: {  	v11 =	vld [tilespmem:$0xB0]  }
0x27: {  	s30 =	sand.u32 $0x1800, s4;
	s4 =	sand.u32 $0x380, s4;
	v12 =	vld [tilespmem:$0xC0]  }
0x28: {  	s3 =	sor.u32 s4, s30;
	v13 =	vld [tilespmem:$0xD0]  }
0x29: {  	v14 =	vld [tilespmem:$0xE0];
	[tilespmem:s3+$0x2570] =	vst v15  }
0x2a: {  	[tilespmem:s3+$0x500] =	vst v0  }
0x2b: {  	[tilespmem:s3+$0x510] =	vst v1  }
0x2c: {  	[tilespmem:s3+$0x520] =	vst v2  }
0x2d: {  	[tilespmem:s3+$0x530] =	vst v3  }
0x2e: {  	[tilespmem:s3+$0x540] =	vst v4  }
0x2f: {  	[tilespmem:s3+$0x550] =	vst v5  }
0x30: {  	[tilespmem:s3+$0x560] =	vst v6  }
0x31: {  	[tilespmem:s3+$0x570] =	vst v7  }
0x32: {  	[tilespmem:s3+$0x2500] =	vst v8  }
0x33: {  	[tilespmem:s3+$0x2510] =	vst v9  }
0x34: {  	[tilespmem:s3+$0x2520] =	vst v10  }
0x35: {  	[tilespmem:s3+$0x2530] =	vst v11  }
0x36: {  	s31 =	simm.s32 $0x100;
	s4 =	simm.s32 $0x80;
	[tilespmem:s3+$0x2540] =	vst v12  }
0x37: {  	s5 =	simm.s32 $0x200;
	s6 =	sand.u32 $0x1800, s31;
	s7 =	sand.u32 $0x380, s4;
	[tilespmem:s3+$0x2550] =	vst v13  }
.LBB2_1:
0x38: {  	p0 =	sne.s32 s5, $0x1F00;
	[tilespmem:s3+$0x2560] =	vst v14;
	s3 =	sor.u32 s7, s6  }
0x39: {  	[tilespmem:s3+$0x2570] =	vst v15  }
0x3a: {  	[tilespmem:s3+$0x500] =	vst v0  }
0x3b: {  	[tilespmem:s3+$0x510] =	vst v1  }
0x3c: {  	[tilespmem:s3+$0x520] =	vst v2  }
0x3d: {  	[tilespmem:s3+$0x530] =	vst v3  }
0x3e: {  	[tilespmem:s3+$0x540] =	vst v4  }
0x3f: {  	[tilespmem:s3+$0x550] =	vst v5  }
0x40: {  	[tilespmem:s3+$0x560] =	vst v6  }
0x41: {  	[tilespmem:s3+$0x570] =	vst v7  }
0x42: {  	[tilespmem:s3+$0x2500] =	vst v8  }
.Ltmp0:
0x43: {  	[tilespmem:s3+$0x2510] =	vst v9;
	(pc) =	sbr.rel @p0 .LBB2_1-.Ltmp0, $4  }
0x44: {  	[tilespmem:s3+$0x2520] =	vst v10  }
0x45: {  	[tilespmem:s3+$0x2530] =	vst v11  }
0x46: {  	s4 =	sadd.s32 $0x80, s4;
	[tilespmem:s3+$0x2540] =	vst v12  }
0x47: {  	s6 =	sand.u32 $0x1800, s5;
	s5 =	sadd.s32 $0x100, s5;
	s7 =	sand.u32 $0x380, s4;
	[tilespmem:s3+$0x2550] =	vst v13  }
0x48: {  	s4 =	sor.u32 s7, s6;
	[tilespmem:s3+$0x2560] =	vst v14  }
0x49: {  	[tilespmem:s4+$0x2570] =	vst v15  }
0x4a: {  	[tilespmem:s4+$0x500] =	vst v0  }
0x4b: {  	[tilespmem:s4+$0x510] =	vst v1  }
0x4c: {  	[tilespmem:s4+$0x520] =	vst v2  }
0x4d: {  	[tilespmem:s4+$0x530] =	vst v3  }
0x4e: {  	[tilespmem:s4+$0x540] =	vst v4  }
0x4f: {  	[tilespmem:s4+$0x550] =	vst v5  }
0x50: {  	[tilespmem:s4+$0x560] =	vst v6  }
0x51: {  	[tilespmem:s4+$0x570] =	vst v7  }
0x52: {  	[tilespmem:s4+$0x2500] =	vst v8  }
0x53: {  	[tilespmem:s4+$0x2510] =	vst v9  }
0x54: {  	[tilespmem:s4+$0x2520] =	vst v10  }
0x55: {  	[tilespmem:s4+$0x2530] =	vst v11  }
0x56: {  	[tilespmem:s4+$0x2540] =	vst v12  }
0x57: {  	[tilespmem:s4+$0x2550] =	vst v13  }
0x58: {  	s25 =	simm.s32 $0x2;
	[tilespmem:s4+$0x2560] =	vst v14  }
0x59: {  	_ =	swait.ge [sflag:s25], $0x1000  }
0x5a: {  	[sflag:s25] =	ssyncset.done $0x0  }
0x5b: {  	s26 =	simm.s32 $0x3;
	[sflag:s25] =	ssyncadd.s32 $0xFFFFF000  }
0x5c: {  	s28 =	sshll.u32 s2, $0xB;
	_ =	swait.ge [sflag:s26], $0x1000  }
0x5d: {  	s29 =	simm.s32 $0x0;
	s30 =	simm.s32 $0x100;
	[sflag:s26] =	ssyncset.done $0x0  }
0x5e: {  	s31 =	simm.s32 $0x4;
	s1 =	sadd.s32 s1, s28;
	[sflag:s26] =	ssyncadd.s32 $0xFFFFF000  }
0x5f: {  	[hbm4b:s1+s29] =	stream.linear.scatter [tilespmem:s30], [sflag:$0x4], $0x4000, $0x38;
	[tilespmem:$0x4100] =	vst v63  }
0x60: {  	_ =	swait.ge [sflag:s31], $0x4000  }
0x61: {  	[sflag:s31] =	ssyncset.done $0x0  }
0x62: {  	[sflag:s31] =	ssyncadd.s32 $0xFFFFC000  }
0x63: {  	_ =	sfence.sel $0x180000  }
0x64: {  	[bflag:$0x0] =	sbarrier.arrive $0xFFFF  }
0x65: {  	p0 =	sne.s32 s2, $0x0;
	_ =	strace $0x90000047  }
0x66: {  	s0 =	sadd.s32 @!p0 $0x100000, s0;
	[bflag:$0x2] =	sbarrier.arrive $0xFFFF  }
0x67: {  	[sflag:s0] =	ssyncadd.tile.s32 @!p0 $0x1;
	_ =	shalt  }
.Lfunc_end2:
_tile_overlayer_lowered:
.L_overlay_start_2:
0x68: {  	(tag) =	ssettag $0x2  }
0x69: {  	s0 =	rddreg [dreg:$0x0];
	s2 =	stileid.u32  }
0x6a: {  	s1 =	rddreg [dreg:$0x1];
	p0 =	sne.s32 s2, $0x0  }
0x6b: {  	s3 =	rddreg [dreg:$0x2];
	[bflag:$0x3] =	sbarrier.arrive $0xFFFF;
	s2 =	simm.s32 @!p0 $0x1C04  }
0x6c: {  	[timem:s3], [sflag:s2] =	dma.local @!p0 [hbm:s0], s1  }
0x6d: {  	s0 =	simm.s32 @!p0 $0x4  }
0x6e: {  	_ =	swait.ge @!p0 [sflag:s0], s1  }
0x6f: {  	s1 =	ssub.s32 @!p0 $0x0, s1;
	[sflag:s0] =	ssyncset.done @!p0 $0x0  }
0x70: {  	[sflag:s0] =	ssyncadd.s32 @!p0 s1  }
0x71: {  	[bflag:$0x3] =	sbarrier.arrive $0xFFFF  }
0x72: {  	_ =	shalt  }

</sc_bundles>
